<compile_context>
chip_gen: v7x
topology: tpu7x:2x2x1
jax: 0.10.2.dev20260603
libtpu: 0.0.44.dev20260713+nightly
codegen_flags: <defaults>
</compile_context>

<pallas_src>
import functools

import jax
import jax.numpy as jnp
from jax import lax
from jax.experimental import pallas as pl
from jax.experimental.pallas import tpu as pltpu
from jax.experimental.pallas import tpu_sc as plsc

B = 16384
N_NUM = 13
N_CAT = 26
N_TOK = N_NUM + N_CAT
CARD = 100000
D = 32

NC = 2
NS = 16
NW = NC * NS
S_PER_W = B // NW

_mesh = plsc.VectorSubcoreMesh(core_axis_name="c", subcore_axis_name="s")


@functools.partial(
    pl.kernel,
    out_type=jax.ShapeDtypeStruct((N_CAT * B, D), jnp.float32),
    mesh=_mesh,
    compiler_params=pltpu.CompilerParams(use_tc_tiling_on_sc=False),
    scratch_types=[
        pltpu.VMEM((S_PER_W,), jnp.int32),
        pltpu.VMEM((4, 128), jnp.int32),
        pltpu.VMEM((S_PER_W, D), jnp.float32),
        pltpu.SemaphoreType.DMA,
    ],
)
def _cat_gather(xcat_hbm, table_hbm, out_hbm, xc_v, idx_v, rows_v, sem):
    wid = lax.axis_index("s") * NC + lax.axis_index("c")
    b0 = wid * S_PER_W

    def per_field(j, carry):
        pltpu.sync_copy(xcat_hbm.at[pl.ds(j * B + b0, S_PER_W)], xc_v)
        off = j * CARD

        def grp(g, c2):
            xv = xc_v[pl.ds(g * 16, 16)]
            v = jnp.maximum(xv, 0) + off
            zero = jnp.zeros((16,), jnp.int32)
            step = 4 * SPLIT - 1
            q = (jnp.where(v >= SPLIT, step, zero)
                 + jnp.where(v >= 2 * SPLIT, step, zero)
                 + jnp.where(v >= 3 * SPLIT, step, zero))
            idx_v[g // 8, pl.ds((g % 8) * 16, 16)] = v * 4 - q
            return c2

        lax.fori_loop(0, S_PER_W // 16, grp, None)

        gathers = [
            pltpu.async_copy(table_hbm.at[idx_v.at[q]],
                             rows_v.at[pl.ds(q * 128, 128)], sem)
            for q in range(S_PER_W // 128)
        ]
        for cp in gathers:
            cp.wait()
        pltpu.sync_copy(rows_v, out_hbm.at[pl.ds(j * B + b0, S_PER_W)])
        return carry

    lax.fori_loop(0, N_CAT, per_field, None)


TROWS = N_CAT * CARD
SPLIT = 650112
CH = 384
NBLK = SPLIT // CH


def _conv_body(t0, t1, t2, t3, o_ref):
    for q, t in enumerate((t0, t1, t2, t3)):
        o_ref[:, q * D:(q + 1) * D] = jnp.transpose(t[...], (1, 0))


def _make_spec(q):
    return pl.BlockSpec((D, CH), lambda i, q=q: (0, q * NBLK + i))


def _tc_relayout_table(tableT):
    return pl.pallas_call(
        _conv_body,
        grid=(NBLK,),
        in_specs=[_make_spec(0), _make_spec(1), _make_spec(2), _make_spec(3)],
        out_specs=pl.BlockSpec((CH, 4 * D), lambda i: (i, 0)),
        out_shape=jax.ShapeDtypeStruct((SPLIT, 4 * D), jnp.float32),
    )(tableT, tableT, tableT, tableT)


BL = 512


def _asm_body(x_ref, w_ref, b_ref, c_ref, o_ref):
    o_ref[0:N_NUM] = (x_ref[...][:, None, :] * w_ref[...][:, :, None]
                      + b_ref[...][:, :, None])
    o_ref[N_NUM:N_TOK] = jnp.transpose(c_ref[...], (0, 2, 1))


def _tc_assemble(xnT, num_weight, num_bias, catc3):
    return pl.pallas_call(
        _asm_body,
        grid=(B // BL,),
        in_specs=[
            pl.BlockSpec((N_NUM, BL), lambda i: (0, i)),
            pl.BlockSpec((N_NUM, D), lambda i: (0, 0)),
            pl.BlockSpec((N_NUM, D), lambda i: (0, 0)),
            pl.BlockSpec((N_CAT, BL, D), lambda i: (0, i, 0)),
        ],
        out_specs=pl.BlockSpec((N_TOK, D, BL), lambda i: (0, 0, i)),
        out_shape=jax.ShapeDtypeStruct((N_TOK, D, B), jnp.float32),
    )(xnT, num_weight, num_bias, catc3)


def kernel(x_num, x_cat, num_weight, num_bias, cat_table):
    xcT = jnp.transpose(x_cat.astype(jnp.int32), (1, 0)).reshape(N_CAT * B)
    xnT = jnp.transpose(x_num, (1, 0))
    packed = _tc_relayout_table(jnp.transpose(cat_table, (1, 0)))
    catc = _cat_gather(xcT, packed.reshape(4 * SPLIT, D))
    catc3 = catc.reshape(N_CAT, B, D)
    out3 = _tc_assemble(xnT, num_weight, num_bias, catc3)
    return jnp.transpose(out3, (2, 0, 1))

# --- scband reference (transcript-rebuilt; emitter-appended) ---
"""Pipeline reference for scband-feature-tokenizer-39118562132482 (READ-ONLY COPY).

The authoritative reference and input builder live on the scoring server;
editing this copy changes nothing except your own understanding.
"""

import jax, jax.numpy as jnp
import numpy as np

N_NUM = 13
N_CAT = 26
CARD = 100000
TOTAL_CAT = N_CAT * CARD
D_MODEL = 32
BATCH = 16384


def setup_inputs(seed: int = 0) -> dict:
    key = jax.random.key(seed)
    k1, k2, k3, k4 = jax.random.split(key, 4)
    x_num = jax.random.normal(k1, (BATCH, N_NUM), dtype=jnp.float32)
    x_cat = jax.random.randint(k2, (BATCH, N_CAT), 0, CARD, dtype=jnp.int64)
    num_weight = 0.02 * jax.random.normal(k3, (N_NUM, D_MODEL), dtype=jnp.float32)
    num_bias = jnp.zeros((N_NUM, D_MODEL), dtype=jnp.float32)
    cat_table = 0.02 * jax.random.normal(k4, (TOTAL_CAT, D_MODEL), dtype=jnp.float32)
    return {"x_num": x_num, "x_cat": x_cat, "num_weight": num_weight, "num_bias": num_bias, "cat_table": cat_table}


def reference(x_num, x_cat, num_weight, num_bias, cat_table):
    # numeric tokens: [B, n_num, 1] * [1, n_num, d] + [1, n_num, d]
    num_tokens = x_num[:, :, None] * num_weight[None, :, :] + num_bias[None, :, :]
    # categorical tokens: clamp, add per-field offsets, gather from shared table
    cat_offsets = (jnp.arange(N_CAT, dtype=jnp.int64) * CARD)[None, :]
    idx = jnp.clip(x_cat, 0, None) + cat_offsets
    cat_tokens = jnp.take(cat_table, idx, axis=0)
    return jnp.concatenate([num_tokens, cat_tokens], axis=1)

if __name__ == "__main__":
    import jax
    _d = setup_inputs()
    print(jax.jit(kernel)(*tuple(_d.values())))

</pallas_src>

<mosaic_0001>
#map = affine_map<(d0, d1) -> (0)>
#map1 = affine_map<(d0, d1) -> (0, 0)>
module attributes {stable_mosaic.version = 14 : i64} {
  func.func @_cat_gather(%arg0: i32, %arg1: i32, %arg2: memref<425984xi32, #tpu.memory_space<hbm>>, %arg3: memref<2600448x32xf32, #tpu.memory_space<hbm>>, %arg4: memref<425984x32xf32, #tpu.memory_space<hbm>>, %arg5: memref<512xi32, #tpu.memory_space<vmem>>, %arg6: memref<4x128xi32, #tpu.memory_space<vmem>>, %arg7: memref<512x32xf32, #tpu.memory_space<vmem>>, %arg8: memref<!tpu.dma_semaphore, #tpu.memory_space<semaphore_mem>>) attributes {dimension_semantics = [#tpu.dimension_semantics<core_parallel>, #tpu.dimension_semantics<subcore_parallel>], iteration_bounds = array<i64: 2, 16>, scalar_prefetch = 0 : i64, scratch_operands = 4 : i64, tpu.core_type = #tpu.core_type<sc_vector_subcore>, window_params = [{transform_indices = #map}, {transform_indices = #map1}, {transform_indices = #map1}]} {
    %mul3A = arith.constant 2 : i32
    %mul3A_0 = arith.muli %arg1, %mul3A : i32
    %add3A = arith.addi %mul3A_0, %arg0 : i32
    %mul3A_1 = arith.constant 512 : i32
    %mul3A_2 = arith.muli %add3A, %mul3A_1 : i32
    %scan3A = arith.constant 0 : i32
    %scan3A_3 = arith.constant 26 : i32
    %scan3A_4 = arith.addi %scan3A, %scan3A_3 : i32
    %scan3A_5 = arith.constant 1 : i32
    scf.for %scan3A_7 = %scan3A to %scan3A_4 step %scan3A_5  : i32 {
      %mul3A_8 = arith.constant 16384 : i32
      %mul3A_9 = arith.muli %scan3A_7, %mul3A_8 : i32
      %add3A_10 = arith.addi %mul3A_9, %mul3A_2 : i32
      "tpu.region"() ({
        %run_scoped3A = tpu.sem_alloc : memref<!tpu.dma_semaphore, #tpu.memory_space<semaphore_mem>>
        %dma_start3A_99 = tpu.memref_slice %arg2[%add3A_10] : memref<425984xi32, #tpu.memory_space<hbm>> -> memref<512xi32, #tpu.memory_space<hbm>>
        %dma_start3A_100 = tpu.memref_slice %arg2[%add3A_10] : memref<425984xi32, #tpu.memory_space<hbm>> -> memref<512xi32, #tpu.memory_space<hbm>>
        tpu.enqueue_dma source(%dma_start3A_100 : memref<512xi32, #tpu.memory_space<hbm>>) target(%arg5 : memref<512xi32, #tpu.memory_space<vmem>>) target_semaphore(%run_scoped3A : memref<!tpu.dma_semaphore, #tpu.memory_space<semaphore_mem>>)
        %dma_wait3A_101 = tpu.memref_slice %arg2[%add3A_10] : memref<425984xi32, #tpu.memory_space<hbm>> -> memref<512xi32, #tpu.memory_space<hbm>>
        %dma_wait3A_102 = tpu.memref_slice %arg2[%add3A_10] : memref<425984xi32, #tpu.memory_space<hbm>> -> memref<512xi32, #tpu.memory_space<hbm>>
        tpu.wait_dma2 semaphore(%run_scoped3A : memref<!tpu.dma_semaphore, #tpu.memory_space<semaphore_mem>>) src(%dma_wait3A_102 : memref<512xi32, #tpu.memory_space<hbm>>) dst(%arg5 : memref<512xi32, #tpu.memory_space<vmem>>)
        tpu.yield
      }) : () -> ()
      %mul3A_11 = arith.constant 100000 : i32
      %mul3A_12 = arith.muli %scan3A_7, %mul3A_11 : i32
      %scan3A_13 = arith.constant 0 : i32
      %scan3A_14 = arith.constant 32 : i32
      %scan3A_15 = arith.addi %scan3A_13, %scan3A_14 : i32
      %scan3A_16 = arith.constant 1 : i32
      scf.for %scan3A_99 = %scan3A_13 to %scan3A_15 step %scan3A_16  : i32 {
        %mul3A_100 = arith.constant 16 : i32
        %mul3A_101 = arith.muli %scan3A_99, %mul3A_100 : i32
        %get3A = arith.index_cast %mul3A_101 : i32 to index
        %get3A_102 = tpu.vector_load %arg5[%get3A] {strides = array<i32>} : memref<512xi32, #tpu.memory_space<vmem>>, vector<16xi32>,
        %get3A_103 = vector.shape_cast %get3A_102 : vector<16xi32> to vector<16xi32>
        %max3A = arith.constant 0 : i32
        %max3A_104 = vector.broadcast %max3A : i32 to vector<16xi32>
        %max3A_105 = arith.maxsi %get3A_103, %max3A_104 : vector<16xi32>
        %add3A_106 = vector.broadcast %mul3A_12 : i32 to vector<16xi32>
        %add3A_107 = arith.addi %max3A_105, %add3A_106 : vector<16xi32>
        %broadcast_in_dim3A = arith.constant 0 : i32
        %broadcast_in_dim3A_108 = vector.broadcast %broadcast_in_dim3A : i32 to vector<16xi32>
        %ge3A = arith.constant 650112 : i32
        %ge3A_109 = vector.broadcast %ge3A : i32 to vector<16xi32>
        %ge3A_110 = arith.cmpi sge, %add3A_107, %ge3A_109 : vector<16xi32>
        %jit3A = arith.constant 2600447 : i32
        %broadcast_in_dim3A_111 = vector.broadcast %jit3A : i32 to vector<16xi32>
        %select_n3A = arith.select %ge3A_110, %broadcast_in_dim3A_111, %broadcast_in_dim3A_108 : vector<16xi1>, vector<16xi32>
        %ge3A_112 = arith.constant 1300224 : i32
        %ge3A_113 = vector.broadcast %ge3A_112 : i32 to vector<16xi32>
        %ge3A_114 = arith.cmpi sge, %add3A_107, %ge3A_113 : vector<16xi32>
        %jit3A_115 = arith.constant 2600447 : i32
        %broadcast_in_dim3A_116 = vector.broadcast %jit3A_115 : i32 to vector<16xi32>
        %select_n3A_117 = arith.select %ge3A_114, %broadcast_in_dim3A_116, %broadcast_in_dim3A_108 : vector<16xi1>, vector<16xi32>
        %add3A_118 = arith.addi %select_n3A, %select_n3A_117 : vector<16xi32>
        %ge3A_119 = arith.constant 1950336 : i32
        %ge3A_120 = vector.broadcast %ge3A_119 : i32 to vector<16xi32>
        %ge3A_121 = arith.cmpi sge, %add3A_107, %ge3A_120 : vector<16xi32>
        %jit3A_122 = arith.constant 2600447 : i32
        %broadcast_in_dim3A_123 = vector.broadcast %jit3A_122 : i32 to vector<16xi32>
        %select_n3A_124 = arith.select %ge3A_121, %broadcast_in_dim3A_123, %broadcast_in_dim3A_108 : vector<16xi1>, vector<16xi32>
        %add3A_125 = arith.addi %add3A_118, %select_n3A_124 : vector<16xi32>
        %mul3A_126 = arith.constant 4 : i32
        %mul3A_127 = vector.broadcast %mul3A_126 : i32 to vector<16xi32>
        %mul3A_128 = arith.muli %add3A_107, %mul3A_127 : vector<16xi32>
        %sub3A = arith.subi %mul3A_128, %add3A_125 : vector<16xi32>
        %jit3A_129 = arith.constant 8 : i32
        %div3A = arith.divsi %scan3A_99, %jit3A_129 : i32
        %sign3A = arith.constant 0 : i32
        %sign3A_130 = arith.cmpi sgt, %scan3A_99, %sign3A : i32
        %sign3A_131 = arith.extui %sign3A_130 : i1 to i32
        %sign3A_132 = arith.constant 0 : i32
        %sign3A_133 = arith.cmpi slt, %scan3A_99, %sign3A_132 : i32
        %sign3A_134 = arith.extui %sign3A_133 : i1 to i32
        %sign3A_135 = arith.subi %sign3A_131, %sign3A_134 : i32
        %sign3A_136 = arith.constant 0 : i32
        %sign3A_137 = arith.cmpi sgt, %jit3A_129, %sign3A_136 : i32
        %sign3A_138 = arith.extui %sign3A_137 : i1 to i32
        %sign3A_139 = arith.constant 0 : i32
        %sign3A_140 = arith.cmpi slt, %jit3A_129, %sign3A_139 : i32
        %sign3A_141 = arith.extui %sign3A_140 : i1 to i32
        %sign3A_142 = arith.subi %sign3A_138, %sign3A_141 : i32
        %ne3A = arith.cmpi ne, %sign3A_135, %sign3A_142 : i32
        %rem3A = arith.remsi %scan3A_99, %jit3A_129 : i32
        %ne3A_143 = arith.constant 0 : i32
        %ne3A_144 = arith.cmpi ne, %rem3A, %ne3A_143 : i32
        %and3A = arith.andi %ne3A, %ne3A_144 : i1
        %sub3A_145 = arith.constant 1 : i32
        %sub3A_146 = arith.subi %div3A, %sub3A_145 : i32
        %select_n3A_147 = arith.select %and3A, %sub3A_146, %div3A : i32
        %jit3A_148 = arith.constant 8 : i32
        %eq3A = arith.constant 0 : i32
        %eq3A_149 = arith.cmpi eq, %jit3A_148, %eq3A : i32
        %jit3A_150 = arith.constant 1 : i32
        %select_n3A_151 = arith.select %eq3A_149, %jit3A_150, %jit3A_148 : i32
        %rem3A_152 = arith.remsi %scan3A_99, %select_n3A_151 : i32
        %ne3A_153 = arith.constant 0 : i32
        %ne3A_154 = arith.cmpi ne, %rem3A_152, %ne3A_153 : i32
        %lt3A = arith.constant 0 : i32
        %lt3A_155 = arith.cmpi slt, %rem3A_152, %lt3A : i32
        %lt3A_156 = arith.constant 0 : i32
        %lt3A_157 = arith.cmpi slt, %select_n3A_151, %lt3A_156 : i32
        %ne3A_158 = arith.xori %lt3A_155, %lt3A_157 : i1
        %and3A_159 = arith.andi %ne3A_158, %ne3A_154 : i1
        %add3A_160 = arith.addi %rem3A_152, %select_n3A_151 : i32
        %select_n3A_161 = arith.select %and3A_159, %add3A_160, %rem3A_152 : i32
        %mul3A_162 = arith.constant 16 : i32
        %mul3A_163 = arith.muli %select_n3A_161, %mul3A_162 : i32
        %swap3A = arith.index_cast %select_n3A_147 : i32 to index
        %swap3A_164 = arith.index_cast %mul3A_163 : i32 to index
        %swap3A_165 = tpu.vector_load %arg6[%swap3A, %swap3A_164] {strides = array<i32>} : memref<4x128xi32, #tpu.memory_space<vmem>>, vector<1x16xi32>,
        %swap3A_166 = vector.shape_cast %swap3A_165 : vector<1x16xi32> to vector<16xi32>
        %swap3A_167 = vector.shape_cast %sub3A : vector<16xi32> to vector<1x16xi32>
        tpu.vector_store %arg6[%swap3A, %swap3A_164], %swap3A_167 {strides = array<i32>} : memref<4x128xi32, #tpu.memory_space<vmem>>, vector<1x16xi32>,
      }
      %scan3A_17 = arith.constant 32 : i32
      %dma_start3A = arith.constant 0 : i32
      %dma_start3A_18 = arith.constant 0 : i32
      %dma_start3A_19 = arith.constant 0 : i32
      %dma_start3A_20 = tpu.memref_slice %arg7[%dma_start3A_18, %dma_start3A_19] : memref<512x32xf32, #tpu.memory_space<vmem>> -> memref<128x32xf32, #tpu.memory_space<vmem>>
      %dma_start3A_21 = arith.constant 0 : i32
      %dma_start3A_22 = tpu.memref_slice %arg6[%dma_start3A, %dma_start3A_21] : memref<4x128xi32, #tpu.memory_space<vmem>> -> memref<1x128xi32, #tpu.memory_space<vmem>>
      %dma_start3A_23 = tpu.memref_squeeze %dma_start3A_22 : memref<1x128xi32, #tpu.memory_space<vmem>> -> memref<128xi32, #tpu.memory_space<vmem>>
      %dma_start3A_24 = arith.constant 0 : i32
      %dma_start3A_25 = arith.constant 0 : i32
      %dma_start3A_26 = tpu.memref_slice %arg3[%dma_start3A_24, %dma_start3A_25] : memref<2600448x32xf32, #tpu.memory_space<hbm>> -> memref<2600448x32xf32, #tpu.memory_space<hbm>>
      tpu.enqueue_indirect_dma source(%dma_start3A_26 : memref<2600448x32xf32, #tpu.memory_space<hbm>>) target(%dma_start3A_20 : memref<128x32xf32, #tpu.memory_space<vmem>>) offsets(%dma_start3A_23 : memref<128xi32, #tpu.memory_space<vmem>>) semaphore(%arg8 : memref<!tpu.dma_semaphore, #tpu.memory_space<semaphore_mem>>)
      %dma_start3A_27 = arith.constant 1 : i32
      %dma_start3A_28 = arith.constant 128 : i32
      %dma_start3A_29 = arith.constant 0 : i32
      %dma_start3A_30 = tpu.memref_slice %arg7[%dma_start3A_28, %dma_start3A_29] : memref<512x32xf32, #tpu.memory_space<vmem>> -> memref<128x32xf32, #tpu.memory_space<vmem>>
      %dma_start3A_31 = arith.constant 0 : i32
      %dma_start3A_32 = tpu.memref_slice %arg6[%dma_start3A_27, %dma_start3A_31] : memref<4x128xi32, #tpu.memory_space<vmem>> -> memref<1x128xi32, #tpu.memory_space<vmem>>
      %dma_start3A_33 = tpu.memref_squeeze %dma_start3A_32 : memref<1x128xi32, #tpu.memory_space<vmem>> -> memref<128xi32, #tpu.memory_space<vmem>>
      %dma_start3A_34 = arith.constant 0 : i32
      %dma_start3A_35 = arith.constant 0 : i32
      %dma_start3A_36 = tpu.memref_slice %arg3[%dma_start3A_34, %dma_start3A_35] : memref<2600448x32xf32, #tpu.memory_space<hbm>> -> memref<2600448x32xf32, #tpu.memory_space<hbm>>
      tpu.enqueue_indirect_dma source(%dma_start3A_36 : memref<2600448x32xf32, #tpu.memory_space<hbm>>) target(%dma_start3A_30 : memref<128x32xf32, #tpu.memory_space<vmem>>) offsets(%dma_start3A_33 : memref<128xi32, #tpu.memory_space<vmem>>) semaphore(%arg8 : memref<!tpu.dma_semaphore, #tpu.memory_space<semaphore_mem>>)
      %dma_start3A_37 = arith.constant 2 : i32
      %dma_start3A_38 = arith.constant 256 : i32
      %dma_start3A_39 = arith.constant 0 : i32
      %dma_start3A_40 = tpu.memref_slice %arg7[%dma_start3A_38, %dma_start3A_39] : memref<512x32xf32, #tpu.memory_space<vmem>> -> memref<128x32xf32, #tpu.memory_space<vmem>>
      %dma_start3A_41 = arith.constant 0 : i32
      %dma_start3A_42 = tpu.memref_slice %arg6[%dma_start3A_37, %dma_start3A_41] : memref<4x128xi32, #tpu.memory_space<vmem>> -> memref<1x128xi32, #tpu.memory_space<vmem>>
      %dma_start3A_43 = tpu.memref_squeeze %dma_start3A_42 : memref<1x128xi32, #tpu.memory_space<vmem>> -> memref<128xi32, #tpu.memory_space<vmem>>
      %dma_start3A_44 = arith.constant 0 : i32
      %dma_start3A_45 = arith.constant 0 : i32
      %dma_start3A_46 = tpu.memref_slice %arg3[%dma_start3A_44, %dma_start3A_45] : memref<2600448x32xf32, #tpu.memory_space<hbm>> -> memref<2600448x32xf32, #tpu.memory_space<hbm>>
      tpu.enqueue_indirect_dma source(%dma_start3A_46 : memref<2600448x32xf32, #tpu.memory_space<hbm>>) target(%dma_start3A_40 : memref<128x32xf32, #tpu.memory_space<vmem>>) offsets(%dma_start3A_43 : memref<128xi32, #tpu.memory_space<vmem>>) semaphore(%arg8 : memref<!tpu.dma_semaphore, #tpu.memory_space<semaphore_mem>>)
      %dma_start3A_47 = arith.constant 3 : i32
      %dma_start3A_48 = arith.constant 384 : i32
      %dma_start3A_49 = arith.constant 0 : i32
      %dma_start3A_50 = tpu.memref_slice %arg7[%dma_start3A_48, %dma_start3A_49] : memref<512x32xf32, #tpu.memory_space<vmem>> -> memref<128x32xf32, #tpu.memory_space<vmem>>
      %dma_start3A_51 = arith.constant 0 : i32
      %dma_start3A_52 = tpu.memref_slice %arg6[%dma_start3A_47, %dma_start3A_51] : memref<4x128xi32, #tpu.memory_space<vmem>> -> memref<1x128xi32, #tpu.memory_space<vmem>>
      %dma_start3A_53 = tpu.memref_squeeze %dma_start3A_52 : memref<1x128xi32, #tpu.memory_space<vmem>> -> memref<128xi32, #tpu.memory_space<vmem>>
      %dma_start3A_54 = arith.constant 0 : i32
      %dma_start3A_55 = arith.constant 0 : i32
      %dma_start3A_56 = tpu.memref_slice %arg3[%dma_start3A_54, %dma_start3A_55] : memref<2600448x32xf32, #tpu.memory_space<hbm>> -> memref<2600448x32xf32, #tpu.memory_space<hbm>>
      tpu.enqueue_indirect_dma source(%dma_start3A_56 : memref<2600448x32xf32, #tpu.memory_space<hbm>>) target(%dma_start3A_50 : memref<128x32xf32, #tpu.memory_space<vmem>>) offsets(%dma_start3A_53 : memref<128xi32, #tpu.memory_space<vmem>>) semaphore(%arg8 : memref<!tpu.dma_semaphore, #tpu.memory_space<semaphore_mem>>)
      %dma_wait3A = arith.constant 0 : i32
      %dma_wait3A_57 = arith.constant 0 : i32
      %dma_wait3A_58 = arith.constant 0 : i32
      %dma_wait3A_59 = tpu.memref_slice %arg7[%dma_wait3A_57, %dma_wait3A_58] : memref<512x32xf32, #tpu.memory_space<vmem>> -> memref<128x32xf32, #tpu.memory_space<vmem>>
      %dma_wait3A_60 = arith.constant 0 : i32
      %dma_wait3A_61 = tpu.memref_slice %arg6[%dma_wait3A, %dma_wait3A_60] : memref<4x128xi32, #tpu.memory_space<vmem>> -> memref<1x128xi32, #tpu.memory_space<vmem>>
      %dma_wait3A_62 = tpu.memref_squeeze %dma_wait3A_61 : memref<1x128xi32, #tpu.memory_space<vmem>> -> memref<128xi32, #tpu.memory_space<vmem>>
      %dma_wait3A_63 = arith.constant 0 : i32
      %dma_wait3A_64 = arith.constant 0 : i32
      %dma_wait3A_65 = tpu.memref_slice %arg3[%dma_wait3A_63, %dma_wait3A_64] : memref<2600448x32xf32, #tpu.memory_space<hbm>> -> memref<2600448x32xf32, #tpu.memory_space<hbm>>
      tpu.wait_indirect_dma semaphore(%arg8 : memref<!tpu.dma_semaphore, #tpu.memory_space<semaphore_mem>>) src(%dma_wait3A_65 : memref<2600448x32xf32, #tpu.memory_space<hbm>>) dst(%dma_wait3A_59 : memref<128x32xf32, #tpu.memory_space<vmem>>)
      %dma_wait3A_66 = arith.constant 1 : i32
      %dma_wait3A_67 = arith.constant 128 : i32
      %dma_wait3A_68 = arith.constant 0 : i32
      %dma_wait3A_69 = tpu.memref_slice %arg7[%dma_wait3A_67, %dma_wait3A_68] : memref<512x32xf32, #tpu.memory_space<vmem>> -> memref<128x32xf32, #tpu.memory_space<vmem>>
      %dma_wait3A_70 = arith.constant 0 : i32
      %dma_wait3A_71 = tpu.memref_slice %arg6[%dma_wait3A_66, %dma_wait3A_70] : memref<4x128xi32, #tpu.memory_space<vmem>> -> memref<1x128xi32, #tpu.memory_space<vmem>>
      %dma_wait3A_72 = tpu.memref_squeeze %dma_wait3A_71 : memref<1x128xi32, #tpu.memory_space<vmem>> -> memref<128xi32, #tpu.memory_space<vmem>>
      %dma_wait3A_73 = arith.constant 0 : i32
      %dma_wait3A_74 = arith.constant 0 : i32
      %dma_wait3A_75 = tpu.memref_slice %arg3[%dma_wait3A_73, %dma_wait3A_74] : memref<2600448x32xf32, #tpu.memory_space<hbm>> -> memref<2600448x32xf32, #tpu.memory_space<hbm>>
      tpu.wait_indirect_dma semaphore(%arg8 : memref<!tpu.dma_semaphore, #tpu.memory_space<semaphore_mem>>) src(%dma_wait3A_75 : memref<2600448x32xf32, #tpu.memory_space<hbm>>) dst(%dma_wait3A_69 : memref<128x32xf32, #tpu.memory_space<vmem>>)
      %dma_wait3A_76 = arith.constant 2 : i32
      %dma_wait3A_77 = arith.constant 256 : i32
      %dma_wait3A_78 = arith.constant 0 : i32
      %dma_wait3A_79 = tpu.memref_slice %arg7[%dma_wait3A_77, %dma_wait3A_78] : memref<512x32xf32, #tpu.memory_space<vmem>> -> memref<128x32xf32, #tpu.memory_space<vmem>>
      %dma_wait3A_80 = arith.constant 0 : i32
      %dma_wait3A_81 = tpu.memref_slice %arg6[%dma_wait3A_76, %dma_wait3A_80] : memref<4x128xi32, #tpu.memory_space<vmem>> -> memref<1x128xi32, #tpu.memory_space<vmem>>
      %dma_wait3A_82 = tpu.memref_squeeze %dma_wait3A_81 : memref<1x128xi32, #tpu.memory_space<vmem>> -> memref<128xi32, #tpu.memory_space<vmem>>
      %dma_wait3A_83 = arith.constant 0 : i32
      %dma_wait3A_84 = arith.constant 0 : i32
      %dma_wait3A_85 = tpu.memref_slice %arg3[%dma_wait3A_83, %dma_wait3A_84] : memref<2600448x32xf32, #tpu.memory_space<hbm>> -> memref<2600448x32xf32, #tpu.memory_space<hbm>>
      tpu.wait_indirect_dma semaphore(%arg8 : memref<!tpu.dma_semaphore, #tpu.memory_space<semaphore_mem>>) src(%dma_wait3A_85 : memref<2600448x32xf32, #tpu.memory_space<hbm>>) dst(%dma_wait3A_79 : memref<128x32xf32, #tpu.memory_space<vmem>>)
      %dma_wait3A_86 = arith.constant 3 : i32
      %dma_wait3A_87 = arith.constant 384 : i32
      %dma_wait3A_88 = arith.constant 0 : i32
      %dma_wait3A_89 = tpu.memref_slice %arg7[%dma_wait3A_87, %dma_wait3A_88] : memref<512x32xf32, #tpu.memory_space<vmem>> -> memref<128x32xf32, #tpu.memory_space<vmem>>
      %dma_wait3A_90 = arith.constant 0 : i32
      %dma_wait3A_91 = tpu.memref_slice %arg6[%dma_wait3A_86, %dma_wait3A_90] : memref<4x128xi32, #tpu.memory_space<vmem>> -> memref<1x128xi32, #tpu.memory_space<vmem>>
      %dma_wait3A_92 = tpu.memref_squeeze %dma_wait3A_91 : memref<1x128xi32, #tpu.memory_space<vmem>> -> memref<128xi32, #tpu.memory_space<vmem>>
      %dma_wait3A_93 = arith.constant 0 : i32
      %dma_wait3A_94 = arith.constant 0 : i32
      %dma_wait3A_95 = tpu.memref_slice %arg3[%dma_wait3A_93, %dma_wait3A_94] : memref<2600448x32xf32, #tpu.memory_space<hbm>> -> memref<2600448x32xf32, #tpu.memory_space<hbm>>
      tpu.wait_indirect_dma semaphore(%arg8 : memref<!tpu.dma_semaphore, #tpu.memory_space<semaphore_mem>>) src(%dma_wait3A_95 : memref<2600448x32xf32, #tpu.memory_space<hbm>>) dst(%dma_wait3A_89 : memref<128x32xf32, #tpu.memory_space<vmem>>)
      %mul3A_96 = arith.constant 16384 : i32
      %mul3A_97 = arith.muli %scan3A_7, %mul3A_96 : i32
      %add3A_98 = arith.addi %mul3A_97, %mul3A_2 : i32
      "tpu.region"() ({
        %run_scoped3A = tpu.sem_alloc : memref<!tpu.dma_semaphore, #tpu.memory_space<semaphore_mem>>
        %dma_start3A_99 = arith.constant 0 : i32
        %dma_start3A_100 = tpu.memref_slice %arg4[%add3A_98, %dma_start3A_99] : memref<425984x32xf32, #tpu.memory_space<hbm>> -> memref<512x32xf32, #tpu.memory_space<hbm>>
        %dma_start3A_101 = arith.constant 0 : i32
        %dma_start3A_102 = tpu.memref_slice %arg4[%add3A_98, %dma_start3A_101] : memref<425984x32xf32, #tpu.memory_space<hbm>> -> memref<512x32xf32, #tpu.memory_space<hbm>>
        tpu.enqueue_dma source(%arg7 : memref<512x32xf32, #tpu.memory_space<vmem>>) target(%dma_start3A_102 : memref<512x32xf32, #tpu.memory_space<hbm>>) target_semaphore(%run_scoped3A : memref<!tpu.dma_semaphore, #tpu.memory_space<semaphore_mem>>)
        %dma_wait3A_103 = arith.constant 0 : i32
        %dma_wait3A_104 = tpu.memref_slice %arg4[%add3A_98, %dma_wait3A_103] : memref<425984x32xf32, #tpu.memory_space<hbm>> -> memref<512x32xf32, #tpu.memory_space<hbm>>
        %dma_wait3A_105 = arith.constant 0 : i32
        %dma_wait3A_106 = tpu.memref_slice %arg4[%add3A_98, %dma_wait3A_105] : memref<425984x32xf32, #tpu.memory_space<hbm>> -> memref<512x32xf32, #tpu.memory_space<hbm>>
        tpu.wait_dma2 semaphore(%run_scoped3A : memref<!tpu.dma_semaphore, #tpu.memory_space<semaphore_mem>>) src(%arg7 : memref<512x32xf32, #tpu.memory_space<vmem>>) dst(%dma_wait3A_106 : memref<512x32xf32, #tpu.memory_space<hbm>>)
        tpu.yield
      }) : () -> ()
    }
    %scan3A_6 = arith.constant 26 : i32
    return
  }
}

module attributes {stable_mosaic.version = 14 : i64} {
  func.func @_asm_body(%arg0: i32, %arg1: memref<13x512xf32, #tpu.memory_space<vmem>>, %arg2: memref<13x32xf32, #tpu.memory_space<vmem>>, %arg3: memref<13x32xf32, #tpu.memory_space<vmem>>, %arg4: memref<26x512x32xf32, #tpu.memory_space<vmem>>, %arg5: memref<39x32x512xf32, #tpu.memory_space<vmem>>) attributes {dimension_semantics = [#tpu.dimension_semantics<arbitrary>], iteration_bounds = array<i64: 32>, scalar_prefetch = 0 : i64, scratch_operands = 0 : i64, tpu.core_type = #tpu.core_type<tc>, window_params = [{transform_indices = @transform_0, window_bounds = array<i64: 13, 512>}, {pipeline_mode = #tpu.pipeline_mode<synchronous>, transform_indices = @transform_1, window_bounds = array<i64: 13, 32>}, {pipeline_mode = #tpu.pipeline_mode<synchronous>, transform_indices = @transform_2, window_bounds = array<i64: 13, 32>}, {transform_indices = @transform_3, window_bounds = array<i64: 26, 512, 32>}, {transform_indices = @transform_4, window_bounds = array<i64: 39, 32, 512>}]} {
    %get3A = arith.constant 0 : index
    %get3A_0 = arith.constant 0 : index
    %get3A_1 = vector.load %arg1[%get3A, %get3A_0] : memref<13x512xf32, #tpu.memory_space<vmem>>, vector<13x512xf32>
    %broadcast_in_dim3A = vector.shape_cast %get3A_1 : vector<13x512xf32> to vector<13x1x512xf32>
    %get3A_2 = arith.constant 0 : index
    %get3A_3 = arith.constant 0 : index
    %get3A_4 = vector.load %arg2[%get3A_2, %get3A_3] : memref<13x32xf32, #tpu.memory_space<vmem>>, vector<13x32xf32>
    %broadcast_in_dim3A_5 = vector.shape_cast %get3A_4 : vector<13x32xf32> to vector<13x32x1xf32>
    %mul3A = vector.broadcast %broadcast_in_dim3A : vector<13x1x512xf32> to vector<13x32x512xf32>
    %mul3A_6 = vector.broadcast %broadcast_in_dim3A_5 : vector<13x32x1xf32> to vector<13x32x512xf32>
    %mul3A_7 = arith.mulf %mul3A, %mul3A_6 : vector<13x32x512xf32>
    %get3A_8 = arith.constant 0 : index
    %get3A_9 = arith.constant 0 : index
    %get3A_10 = vector.load %arg3[%get3A_8, %get3A_9] : memref<13x32xf32, #tpu.memory_space<vmem>>, vector<13x32xf32>
    %broadcast_in_dim3A_11 = vector.shape_cast %get3A_10 : vector<13x32xf32> to vector<13x32x1xf32>
    %add3A = vector.broadcast %broadcast_in_dim3A_11 : vector<13x32x1xf32> to vector<13x32x512xf32>
    %add3A_12 = arith.addf %mul3A_7, %add3A : vector<13x32x512xf32>
    %swap3A = arith.constant 0 : index
    %swap3A_13 = arith.constant 0 : index
    %swap3A_14 = arith.constant 0 : index
    %swap3A_15 = vector.load %arg5[%swap3A, %swap3A_13, %swap3A_14] : memref<39x32x512xf32, #tpu.memory_space<vmem>>, vector<13x32x512xf32>
    tpu.vector_store %arg5[%swap3A, %swap3A_13, %swap3A_14], %add3A_12 {strides = array<i32>} : memref<39x32x512xf32, #tpu.memory_space<vmem>>, vector<13x32x512xf32>,
    %get3A_16 = arith.constant 0 : index
    %get3A_17 = arith.constant 0 : index
    %get3A_18 = arith.constant 0 : index
    %get3A_19 = vector.load %arg4[%get3A_16, %get3A_17, %get3A_18] : memref<26x512x32xf32, #tpu.memory_space<vmem>>, vector<26x512x32xf32>
    %transpose3A = tpu.transpose %get3A_19, [0, 2, 1] : vector<26x512x32xf32> -> vector<26x32x512xf32>
    %swap3A_20 = arith.constant 13 : index
    %swap3A_21 = arith.constant 0 : index
    %swap3A_22 = arith.constant 0 : index
    %swap3A_23 = vector.load %arg5[%swap3A_20, %swap3A_21, %swap3A_22] : memref<39x32x512xf32, #tpu.memory_space<vmem>>, vector<26x32x512xf32>
    tpu.vector_store %arg5[%swap3A_20, %swap3A_21, %swap3A_22], %transpose3A {strides = array<i32>} : memref<39x32x512xf32, #tpu.memory_space<vmem>>, vector<26x32x512xf32>,
    return
  }
  func.func @transform_0(%arg0: i32) -> (i32, i32) {
    %c0_i32 = arith.constant 0 : i32
    %c0_i32_0 = arith.constant 0 : i32
    return %c0_i32, %arg0 : i32, i32
  }
  func.func @transform_1(%arg0: i32) -> (i32, i32) {
    %c0_i32 = arith.constant 0 : i32
    %c0_i32_0 = arith.constant 0 : i32
    %c0_i32_1 = arith.constant 0 : i32
    return %c0_i32, %c0_i32_0 : i32, i32
  }
  func.func @transform_2(%arg0: i32) -> (i32, i32) {
    %c0_i32 = arith.constant 0 : i32
    %c0_i32_0 = arith.constant 0 : i32
    %c0_i32_1 = arith.constant 0 : i32
    return %c0_i32, %c0_i32_0 : i32, i32
  }
  func.func @transform_3(%arg0: i32) -> (i32, i32, i32) {
    %c0_i32 = arith.constant 0 : i32
    %c0_i32_0 = arith.constant 0 : i32
    %c0_i32_1 = arith.constant 0 : i32
    return %c0_i32, %arg0, %c0_i32_0 : i32, i32, i32
  }
  func.func @transform_4(%arg0: i32) -> (i32, i32, i32) {
    %c0_i32 = arith.constant 0 : i32
    %c0_i32_0 = arith.constant 0 : i32
    %c0_i32_1 = arith.constant 0 : i32
    return %c0_i32, %c0_i32_0, %arg0 : i32, i32, i32
  }
}

module attributes {stable_mosaic.version = 14 : i64} {
  func.func @_conv_body(%arg0: i32, %arg1: memref<32x384xf32, #tpu.memory_space<vmem>>, %arg2: memref<32x384xf32, #tpu.memory_space<vmem>>, %arg3: memref<32x384xf32, #tpu.memory_space<vmem>>, %arg4: memref<32x384xf32, #tpu.memory_space<vmem>>, %arg5: memref<384x128xf32, #tpu.memory_space<vmem>>) attributes {dimension_semantics = [#tpu.dimension_semantics<arbitrary>], iteration_bounds = array<i64: 1693>, scalar_prefetch = 0 : i64, scratch_operands = 0 : i64, tpu.core_type = #tpu.core_type<tc>, window_params = [{transform_indices = @transform_0, window_bounds = array<i64: 32, 384>}, {transform_indices = @transform_1, window_bounds = array<i64: 32, 384>}, {transform_indices = @transform_2, window_bounds = array<i64: 32, 384>}, {transform_indices = @transform_3, window_bounds = array<i64: 32, 384>}, {transform_indices = @transform_4, window_bounds = array<i64: 384, 128>}]} {
    %get3A = arith.constant 0 : index
    %get3A_0 = arith.constant 0 : index
    %get3A_1 = vector.load %arg1[%get3A, %get3A_0] : memref<32x384xf32, #tpu.memory_space<vmem>>, vector<32x384xf32>
    %transpose3A = tpu.transpose %get3A_1, [1, 0] : vector<32x384xf32> -> vector<384x32xf32>
    %swap3A = arith.constant 0 : index
    %swap3A_2 = arith.constant 0 : index
    %swap3A_3 = vector.load %arg5[%swap3A, %swap3A_2] : memref<384x128xf32, #tpu.memory_space<vmem>>, vector<384x32xf32>
    tpu.vector_store %arg5[%swap3A, %swap3A_2], %transpose3A {strides = array<i32>} : memref<384x128xf32, #tpu.memory_space<vmem>>, vector<384x32xf32>,
    %get3A_4 = arith.constant 0 : index
    %get3A_5 = arith.constant 0 : index
    %get3A_6 = vector.load %arg2[%get3A_4, %get3A_5] : memref<32x384xf32, #tpu.memory_space<vmem>>, vector<32x384xf32>
    %transpose3A_7 = tpu.transpose %get3A_6, [1, 0] : vector<32x384xf32> -> vector<384x32xf32>
    %swap3A_8 = arith.constant 0 : index
    %swap3A_9 = arith.constant 32 : index
    %swap3A_10 = vector.load %arg5[%swap3A_8, %swap3A_9] : memref<384x128xf32, #tpu.memory_space<vmem>>, vector<384x32xf32>
    tpu.vector_store %arg5[%swap3A_8, %swap3A_9], %transpose3A_7 {strides = array<i32>} : memref<384x128xf32, #tpu.memory_space<vmem>>, vector<384x32xf32>,
    %get3A_11 = arith.constant 0 : index
    %get3A_12 = arith.constant 0 : index
    %get3A_13 = vector.load %arg3[%get3A_11, %get3A_12] : memref<32x384xf32, #tpu.memory_space<vmem>>, vector<32x384xf32>
    %transpose3A_14 = tpu.transpose %get3A_13, [1, 0] : vector<32x384xf32> -> vector<384x32xf32>
    %swap3A_15 = arith.constant 0 : index
    %swap3A_16 = arith.constant 64 : index
    %swap3A_17 = vector.load %arg5[%swap3A_15, %swap3A_16] : memref<384x128xf32, #tpu.memory_space<vmem>>, vector<384x32xf32>
    tpu.vector_store %arg5[%swap3A_15, %swap3A_16], %transpose3A_14 {strides = array<i32>} : memref<384x128xf32, #tpu.memory_space<vmem>>, vector<384x32xf32>,
    %get3A_18 = arith.constant 0 : index
    %get3A_19 = arith.constant 0 : index
    %get3A_20 = vector.load %arg4[%get3A_18, %get3A_19] : memref<32x384xf32, #tpu.memory_space<vmem>>, vector<32x384xf32>
    %transpose3A_21 = tpu.transpose %get3A_20, [1, 0] : vector<32x384xf32> -> vector<384x32xf32>
    %swap3A_22 = arith.constant 0 : index
    %swap3A_23 = arith.constant 96 : index
    %swap3A_24 = vector.load %arg5[%swap3A_22, %swap3A_23] : memref<384x128xf32, #tpu.memory_space<vmem>>, vector<384x32xf32>
    tpu.vector_store %arg5[%swap3A_22, %swap3A_23], %transpose3A_21 {strides = array<i32>} : memref<384x128xf32, #tpu.memory_space<vmem>>, vector<384x32xf32>,
    return
  }
  func.func @transform_0(%arg0: i32) -> (i32, i32) {
    %add3A = arith.constant 0 : i32
    %add3A_0 = arith.addi %add3A, %arg0 : i32
    %c0_i32 = arith.constant 0 : i32
    %c0_i32_1 = arith.constant 0 : i32
    return %c0_i32, %add3A_0 : i32, i32
  }
  func.func @transform_1(%arg0: i32) -> (i32, i32) {
    %add3A = arith.constant 1693 : i32
    %add3A_0 = arith.addi %add3A, %arg0 : i32
    %c0_i32 = arith.constant 0 : i32
    %c0_i32_1 = arith.constant 0 : i32
    return %c0_i32, %add3A_0 : i32, i32
  }
  func.func @transform_2(%arg0: i32) -> (i32, i32) {
    %add3A = arith.constant 3386 : i32
    %add3A_0 = arith.addi %add3A, %arg0 : i32
    %c0_i32 = arith.constant 0 : i32
    %c0_i32_1 = arith.constant 0 : i32
    return %c0_i32, %add3A_0 : i32, i32
  }
  func.func @transform_3(%arg0: i32) -> (i32, i32) {
    %add3A = arith.constant 5079 : i32
    %add3A_0 = arith.addi %add3A, %arg0 : i32
    %c0_i32 = arith.constant 0 : i32
    %c0_i32_1 = arith.constant 0 : i32
    return %c0_i32, %add3A_0 : i32, i32
  }
  func.func @transform_4(%arg0: i32) -> (i32, i32) {
    %c0_i32 = arith.constant 0 : i32
    %c0_i32_0 = arith.constant 0 : i32
    return %arg0, %c0_i32 : i32, i32
  }
}

</mosaic_0001>

<sc_bundles>
// kernel: kernel.5.cloned.1.call-start
scs
__scs_entry_jumppad:
0x0: {  	(pc) =	sbr.rel $0x88, $3  }
0x1: {  	(tag) =	ssettag $0x0;
	lr =	simm.s32 $0x1  }
0x2: {  	[smem:$0x3F9C] =	sst lr;
	_ =	strace $0xD0000000  }
0x3: {  	_ = 	snop  }
0x4: {  	_ = 	snop  }
0x5: {  	_ = 	snop  }
0x6: {  	_ = 	snop  }
0x7: {  	_ = 	snop  }
__scs_overlays_trampoline_lowered:
0x8: {  	[smem:$0x3FAB] =	sst s0  }
0x9: {  	[smem:$0x3FAC] =	sst s1  }
0xa: {  	[smem:$0x3FAD] =	sst s2  }
0xb: {  	[smem:$0x3FAE] =	sst s3  }
0xc: {  	[smem:$0x3FAF] =	sst s4  }
0xd: {  	[smem:$0x3FB0] =	sst s5  }
0xe: {  	[smem:$0x3FB1] =	sst s6  }
0xf: {  	[smem:$0x3FB2] =	sst s7  }
0x10: {  	[smem:$0x3FB3] =	sst s8  }
0x11: {  	[smem:$0x3FB4] =	sst s9;
	s0 =	simm.s32 @!p0 $0x0  }
0x12: {  	s1 =	sld [smem:$0x3F9A];
	s0 =	simm.s32 @p0 $0x1  }
0x13: {  	[smem:$0x3FB5] =	sst s0;
	s0 =	simm.s32 @!p1 $0x0  }
0x14: {  	s2 =	sld [smem:$0x3F99];
	s0 =	simm.s32 @p1 $0x1  }
0x15: {  	[smem:$0x3FB6] =	sst s0;
	s0 =	simm.s32 @!p2 $0x0  }
0x16: {  	s3 =	sld [smem:$0x3FDB];
	s0 =	simm.s32 @p2 $0x1  }
0x17: {  	s4 =	simm.s32 $0x1BF5;
	[smem:$0x3FB8] =	sst s0  }
0x18: {  	s0 =	sld [smem:$0x3F9B];
	_ =	swait.ge [sflag:s4], $0x0  }
0x19: {  	s7 =	sld [smem:$0x3F9C]  }
0x1a: {  	s8 =	sadd.s32 $0xFFFFE003, lr  }
0x1b: {  	s9 =	sadd.s32 $0xFFFFFEF7, lr;
	s5 =	simm.s32 $0xFFFFFFFF;
	p2 =	slt.u32 s8, $0xFFFFF086  }
0x1c: {  	p1 =	slt.u32 s9, $0xF7A;
	s5 =	simm.s32 @!p2 $0x0  }
0x1d: {  	s5 =	simm.s32 @p1 $0x1;
	p0 =	seq.s32 s7, s2  }
0x1e: {  	s7 =	smul.u32 @!p0 $0xF7A, s2;
	p2 =	seq.s32 @!p0 s5, $0x0  }
0x1f: {  	s9 =	smul.u32 $0xF7A, s1;
	s8 =	simm.s32 @!p0 $0x1BF5;
	p2 =	por !p2, p0  }
0x20: {  	[sflag:s8] =	ssyncset.s32 @!p0 $0xFFFFF086;
	s6 =	sadd.s32 @!p0 s3, s7;
	s7 =	simm.s32 @!p0 $0x108  }
0x21: {  	s3 =	sadd.s32 s3, s9;
	s6 =	sadd.s32 @!p0 $0x88, s6;
	s7 =	simm.s32 @p2 $0x1082  }
0x22: {  	[simem:s7], [sflag:s8] =	dma.local @!p0 [hbm:s6], $0xF7A  }
0x23: {  	s9 =	sor.u32 $0xD0000000, s2;
	s6 =	simm.s32 $0x108;
	_ =	swait.ge @!p0 [sflag:s8], $0x0  }
0x24: {  	s3 =	sadd.s32 $0x88, s3;
	s6 =	simm.s32 @!p1 $0x1082;
	[sflag:s4] =	ssyncset.s32 $0xFFFFF086  }
0x25: {  	[simem:s6], [sflag:s4] =	dma.local [hbm:s3], $0xF7A  }
0x26: {  	[smem:$0x3F9C] =	sst s1;
	(tag) =	ssettag s2;
	_ =	strace s9  }
0x27: {  	s1 =	sld [smem:$0x3FAC]  }
0x28: {  	s2 =	sld [smem:$0x3FAD]  }
0x29: {  	s4 =	sld [smem:$0x3FAF]  }
0x2a: {  	p0 =	seq.s32 s5, $0x0;
	s5 =	sld [smem:$0x3FB0]  }
0x2b: {  	s6 =	sld [smem:$0x3FB1]  }
0x2c: {  	s7 =	sld [smem:$0x3FB2]  }
0x2d: {  	s3 =	simm.s32 $0x108;
	s8 =	sld [smem:$0x3FB3]  }
0x2e: {  	s3 =	simm.s32 @!p0 $0x1082;
	s9 =	sld [smem:$0x3FB4]  }
0x2f: {  	lr =	sadd.s32 s0, s3;
	s0 =	sld [smem:$0x3FAB]  }
0x30: {  	s3 =	sld [smem:$0x3FAE]  }
0x31: {  	[smem:$0x3FB7] =	sst s10  }
0x32: {  	s10 =	sld [smem:$0x3FB5];
	_ =	sdelay $0x3  }
0x33: {  	p0 =	seq.s32 s10, $0x1;
	s10 =	sld [smem:$0x3FB7];
	_ =	sdelay $0x3  }
0x34: {  	[smem:$0x3FB7] =	sst s10  }
0x35: {  	s10 =	sld [smem:$0x3FB6];
	_ =	sdelay $0x3  }
0x36: {  	p1 =	seq.s32 s10, $0x1;
	s10 =	sld [smem:$0x3FB7];
	_ =	sdelay $0x3  }
0x37: {  	[smem:$0x3FB7] =	sst s10  }
0x38: {  	s10 =	sld [smem:$0x3FB8]  }
0x39: {  	_ = 	snop;
	(pc) =	sbr.ind lr, $3  }
0x3a: {  	_ = 	snop  }
0x3b: {  	_ = 	snop  }
0x3c: {  	p2 =	seq.s32 s10, $0x1;
	s10 =	sld [smem:$0x3FB7]  }
0x3d: {  	_ =	shalt  }
0x3e: {  	_ =	shalt  }
0x3f: {  	_ =	shalt  }
0x40: {  	_ =	shalt  }
0x41: {  	_ =	shalt  }
0x42: {  	_ =	shalt  }
0x43: {  	_ =	shalt  }
0x44: {  	_ =	shalt  }
0x45: {  	_ =	shalt  }
0x46: {  	_ =	shalt  }
0x47: {  	_ =	shalt  }
0x48: {  	_ =	shalt  }
0x49: {  	_ =	shalt  }
0x4a: {  	_ =	shalt  }
0x4b: {  	_ =	shalt  }
0x4c: {  	_ =	shalt  }
0x4d: {  	_ =	shalt  }
0x4e: {  	_ =	shalt  }
0x4f: {  	_ =	shalt  }
0x50: {  	_ =	shalt  }
0x51: {  	_ =	shalt  }
0x52: {  	_ =	shalt  }
0x53: {  	_ =	shalt  }
0x54: {  	_ =	shalt  }
0x55: {  	_ =	shalt  }
0x56: {  	_ =	shalt  }
0x57: {  	_ =	shalt  }
0x58: {  	_ =	shalt  }
0x59: {  	_ =	shalt  }
0x5a: {  	_ =	shalt  }
0x5b: {  	_ =	shalt  }
0x5c: {  	_ =	shalt  }
0x5d: {  	_ =	shalt  }
0x5e: {  	_ =	shalt  }
0x5f: {  	_ =	shalt  }
0x60: {  	_ =	shalt  }
0x61: {  	_ =	shalt  }
0x62: {  	_ =	shalt  }
0x63: {  	_ =	shalt  }
0x64: {  	_ =	shalt  }
0x65: {  	_ =	shalt  }
0x66: {  	_ =	shalt  }
0x67: {  	_ =	shalt  }
0x68: {  	_ =	shalt  }
0x69: {  	_ =	shalt  }
0x6a: {  	_ =	shalt  }
0x6b: {  	_ =	shalt  }
0x6c: {  	_ =	shalt  }
0x6d: {  	_ =	shalt  }
0x6e: {  	_ =	shalt  }
0x6f: {  	_ =	shalt  }
0x70: {  	_ =	shalt  }
0x71: {  	_ =	shalt  }
0x72: {  	_ =	shalt  }
0x73: {  	_ =	shalt  }
0x74: {  	_ =	shalt  }
0x75: {  	_ =	shalt  }
0x76: {  	_ =	shalt  }
0x77: {  	_ =	shalt  }
0x78: {  	_ =	shalt  }
0x79: {  	_ =	shalt  }
0x7a: {  	_ =	shalt  }
0x7b: {  	_ =	shalt  }
0x7c: {  	_ =	shalt  }
0x7d: {  	_ =	shalt  }
0x7e: {  	_ =	shalt  }
0x7f: {  	_ =	shalt  }
0x80: {  	_ =	shalt  }
0x81: {  	_ =	shalt  }
0x82: {  	_ =	shalt  }
0x83: {  	_ =	shalt  }
0x84: {  	_ =	shalt  }
0x85: {  	_ =	shalt  }
0x86: {  	_ =	shalt  }
0x87: {  	_ =	shalt  }
.Lfunc_end0:
.L_simem_size_0:
called_computation_lowered:
.L_overlay_start_0:
0x88: {  	s2 =	sld [smem:$0x3FD9]  }
0x89: {  	s3 =	sld [smem:$0x3FFE];
	_ =	sdelay $0x1  }
0x8a: {  	s1 =	srdreg.scid  }
0x8b: {  	s0 =	sand.u32 $0x1, s1  }
0x8c: {  	s17 =	sshll.u32 s0, $0xA;
	s2 =	sadd.s32 s3, s2  }
0x8d: {  	s2 =	sadd.s32 s2, s17  }
0x8e: {  	[smem:$0x3FC3] =	sst s2  }
0x8f: {  	_ = 	snop  }
0x90: {  	s2 =	sld [smem:$0x3FD0];
	(tm) =	ssettm $0x1  }
0x91: {  	s18 =	sld [smem:$0x3FFB];
	_ =	sdelay $0x3  }
0x92: {  	_ =	strace s18  }
0x93: {  	s3 =	sld [smem:$0x3FFC];
	_ =	sdelay $0x3  }
0x94: {  	_ =	strace s3  }
0x95: {  	s3 =	sld [smem:$0x3FFD];
	_ =	sdelay $0x3  }
0x96: {  	_ =	strace s3  }
0x97: {  	_ =	strace $0x8FFFFFFF  }
0x98: {  	s19 =	sld [smem:$0x3FDB];
	_ =	sdelay $0x1  }
0x99: {  	s4 =	simm.s32 $_scs_section_size  }
0x9a: {  	s5 =	simm.s32 $_size__tile_overlayer_lowered;
	s6 =	simm.s32 $_tile_overlayer_lowered  }
0x9b: {  	s22 =	simm.s32 $0x1BFF;
	s21 =	sshll.u32 s6, $0x1;
	s3 =	sadd.s32 s4, s19  }
0x9c: {  	s7 =	simm.s32 $0x0;
	s20 =	sshll.u32 s5, $0x1;
	s5 =	sadd.s32 s21, s3  }
0x9d: {  	[timem:s7], [sflag:s22] =	dma.local [hbm:s5], s20  }
0x9e: {  	_ =	swait.ge [sflag:s22], s20  }
0x9f: {  	s4 =	ssub.s32 $0x0, s20;
	[sflag:s22] =	ssyncset.done $0x0  }
0xa0: {  	[sflag:s22] =	ssyncadd.s32 s4;
	_ =	sdelay $0x1  }
0xa1: {  	s23 =	simm.s32 $0x1B8B  }
0xa2: {  	_ =	swait.ge [sflag:s23], $0x1  }
0xa3: {  	[sflag:s23] =	ssyncset.done $0x0  }
0xa4: {  	s25 =	simm.s32 $0x1B8E;
	s24 =	sld [smem:$0x3FFE];
	[sflag:s23] =	ssyncadd.s32 $0xFFFFFFFF  }
0xa5: {  	s26 =	simm.s32 $execute0_lowered;
	[smem:$0x3FD2] =	sst s25  }
0xa6: {  	s5 =	sshll.u32 s26, $0x1;
	_ =	strace $0x80000046;
	[dreg:$0x1] =	wrdreg $0xFFFFFFFF  }
0xa7: {  	s28 =	simm.s32 $_size_execute0_lowered;
	s3 =	sadd.s32 s3, s5;
	[dreg:$0x0] =	wrdreg $0x0  }
0xa8: {  	s5 =	sshll.u32 s28, $0x1;
	[dreg:$0x2] =	wrdreg s3  }
0xa9: {  	[dreg:$0x3] =	wrdreg s5  }
0xaa: {  	[dreg:$0x4] =	wrdreg $0xC0  }
0xab: {  	_ =	task [dreg:s7], $0x5FFFF  }
0xac: {  	[dreg:$0x1] =	wrdreg $0xFFFFFFFF  }
0xad: {  	[dreg:$0x0] =	wrdreg $0x60  }
0xae: {  	[dreg:$0x2] =	wrdreg s24  }
0xaf: {  	[dreg:$0x3] =	wrdreg s2  }
0xb0: {  	[dreg:$0x4] =	wrdreg $0x9  }
0xb1: {  	_ =	task.clear_ibuf [dreg:s7], $0x5FFFF;
	_ =	strace $0x90000046  }
0xb2: {  	s29 =	simm.s32 $0x9;
	_ =	strace $0x80000048  }
0xb3: {  	_ =	swait.ge [sflag:s29], $0x1  }
0xb4: {  	[sflag:s29] =	ssyncadd.s32 $0xFFFFFFFF  }
0xb5: {  	_ =	strace $0x90000048  }
0xb6: {  	_ =	sfence  }
0xb7: {  	s30 =	sld [smem:$0x0];
	_ =	sdelay $0x2  }
0xb8: {  	s31 =	sshll.u32 s1, $0xD;
	s1 =	sshrl.u32 s1, $0x2  }
0xb9: {  	s3 =	sand.u32 $0x4000, s31;
	s1 =	sadd.s32 s1, s30  }
0xba: {  	s0 =	sor.u32 s3, s0;
	s1 =	sshll.u32 s1, $0x11  }
0xbb: {  	s0 =	sor.u32 s1, s0  }
0xbc: {  	s0 =	sadd.s32 $0x8F2B, s0  }
0xbd: {  	[sflag:s0] =	ssyncadd.remote.s32 $0x1  }
0xbe: {  	_ =	sfence.sel $0xFFFF  }
0xbf: {  	[dreg:$0x0] =	wrdreg $0xFFFFFFFF;
	(pc) =	sbr.abs _section_cstart, $3  }
0xc0: {  	[dreg:$0x1] =	wrdreg $0xFFFFFFFF  }
0xc1: {  	_ =	task.clear_ibuf [dreg:s7], $0x2FFFF;
	_ =	strace $0x9FFFFFFF  }
0xc2: {  	(tm) =	ssettm $0x7FFFFFFF  }
0xc3: {  	_ =	shalt  }
tec
execute0_lowered:
.L_overlay_start_1:
0x0: {  	(tag) =	ssettag $0x1  }
0x1: {  	s5 =	rddreg [dreg:$0x0]  }
0x2: {  	s1 =	rddreg [dreg:$0x1]  }
0x3: {  	s0 =	rddreg [dreg:$0x2]  }
0x4: {  	s2 =	simm.s32 $0x0;
	s3 =	srdreg.scid;
	s9 =	simm.s32 $0x80  }
0x5: {  	s10 =	simm.s32 $0x200;
	s11 =	simm.s32 $0x400;
	s12 =	simm.s32 $0x280  }
0x6: {  	s13 =	simm.s32 $0x1400;
	s14 =	simm.s32 $0x300;
	s15 =	simm.s32 $0x2400  }
0x7: {  	s16 =	simm.s32 $0x380;
	s17 =	simm.s32 $0x3400;
	s18 =	simm.s32 $0x1  }
0x8: {  	s19 =	simm.s32 $0x0;
	[smem:$0x7FF] =	sst s2;
	s6 =	sand.u32 $0x1, s3  }
0x9: {  	s4 =	sadd.s32 $0xA00, s5;
	s3 =	stileid.u32;
	s7 =	ssub.s32 $0x2, s6  }
0xa: {  	s5 =	sadd.s32 $0xDA00, s5;
	_ =	strace $0x80000047;
	s8 =	sshrl.u32 s7, $0x1  }
0xb: {  	s31 =	sshll.u32 s3, $0xA;
	s6 =	sshll.u32 s6, $0x9;
	s7 =	ssub.s32 s7, s8  }
0xc: {  	v0 =	vimm.s32 $0x0;
	s6 =	sor.u32 s6, s31;
	s8 =	simm.s32 $0x2;
	s7 =	smax.u32 s7, $0x1  }
.LBB2_1:
0xd: {  	s20 =	simm.s32 $0x0  }
.LBB2_2:
0xe: {  	s21 =	sshll.u32 s20, $0xE  }
0xf: {  	s21 =	sor.u32 s6, s21  }
0x10: {  	s22 =	sshrl.u32 s21, $0x3  }
0x11: {  	s23 =	sadd.s32 s4, s22;
	s22 =	simm.s32 $0x0  }
0x12: {  	[tilespmem:s22], [sflag:$0x2] =	stream.linear.gather [hbm4b:s23+s22], $0x200, $0x38;
	[tilespmem:$0x4400] =	vst v63  }
0x13: {  	s31 =	smul.u32 $0x186A0, s20;
	_ =	swait.ge [sflag:s8], $0x200  }
0x14: {  	s25 =	simm.s32 $0x0;
	[sflag:s8] =	ssyncset.done $0x0  }
0x15: {  	s24 =	simm.s32 $0x10;
	v1 =	vmov s31;
	s23 =	simm.s32 $0x0;
	[sflag:s8] =	ssyncadd.s32 $0xFFFFFE00  }
.LBB2_3:
0x16: {  	p0 =	sne.s32 s24, $0x1F0;
	v2 =	vld [tilespmem:s25+$0x0];
	_ =	sdelay $0x4  }
0x17: {  	vm0 =	vgt.s32 v2, $0x0  }
0x18: {  	v2 =	vnsel vm0, $0x0, v2  }
0x19: {  	v2 =	vadd.s32 v1, v2  }
0x1a: {  	vm0 =	vgt.s32 v2, $0x13D6FF  }
.Ltmp0:
0x1b: {  	vm1 =	vgt.s32 v2, $0x9EB7F;
	v4 =	vshll.u32 v2, $0x2;
	v3 =	vsel vm0, $0xFFD85201, v0;
	(pc) =	sbr.rel @p0 .LBB2_3-.Ltmp0, $4  }
0x1c: {  	s25 =	sand.u32 $0x600, s22;
	v5 =	vsel vm1, $0xFFD85201, v0;
	vm0 =	vgt.s32 v2, $0x1DC27F;
	v2 =	vadd.s32 v4, v3  }
0x1d: {  	s26 =	sand.u32 $0x70, s23;
	s23 =	smov.u32 s24;
	s25 =	sshrl.u32 s25, $0x2;
	v3 =	vsel vm0, $0xFFD85201, v0;
	v2 =	vadd.s32 v5, v2  }
0x1e: {  	s22 =	sadd.s32 $0x40, s22;
	s26 =	sor.u32 s26, s25;
	v2 =	vadd.s32 v3, v2  }
0x1f: {  	s24 =	sadd.s32 $0x10, s24;
	s25 =	sshra.s32 s22, $0x2;
	[tilespmem:s26+$0x200] =	vst v2  }
0x20: {  	v2 =	vld [tilespmem:s25+$0x0];
	_ =	sdelay $0x4  }
0x21: {  	vm0 =	vgt.s32 v2, $0x0  }
0x22: {  	v2 =	vnsel vm0, $0x0, v2  }
0x23: {  	v1 =	vadd.s32 v1, v2  }
0x24: {  	vm14 =	vgt.s32 v1, $0x13D6FF  }
0x25: {  	vm1 =	vgt.s32 v1, $0x9EB7F;
	v3 =	vshll.u32 v1, $0x2;
	v2 =	vsel vm14, $0xFFD85201, v0  }
0x26: {  	s22 =	sand.u32 $0x600, s22;
	vm15 =	vgt.s32 v1, $0x1DC27F;
	v4 =	vsel vm1, $0xFFD85201, v0;
	v1 =	vadd.s32 v3, v2  }
0x27: {  	s23 =	sand.u32 $0x70, s23;
	s22 =	sshrl.u32 s22, $0x2;
	v2 =	vsel vm15, $0xFFD85201, v0;
	v1 =	vadd.s32 v4, v1  }
0x28: {  	s22 =	sor.u32 s23, s22;
	v1 =	vadd.s32 v2, v1  }
0x29: {  	[tilespmem:s22+$0x200] =	vst v1  }
0x2a: {  	[tilespmem:s11], [sflag:$0x1] =	stream.indirect.gather [hbm4b:s5+s9], $0x20, s10, s9, $0xb8;
	[tilespmem:$0x4400] =	vst v63  }
0x2b: {  	_ = 	snop  }
0x2c: {  	[tilespmem:s13], [sflag:$0x1] =	stream.indirect.gather [hbm4b:s5+s9], $0x20, s12, s9, $0xb8;
	[tilespmem:$0x4400] =	vst v63  }
0x2d: {  	_ = 	snop  }
0x2e: {  	[tilespmem:s15], [sflag:$0x1] =	stream.indirect.gather [hbm4b:s5+s9], $0x20, s14, s9, $0xb8;
	[tilespmem:$0x4400] =	vst v63  }
0x2f: {  	_ = 	snop  }
0x30: {  	[tilespmem:s17], [sflag:$0x1] =	stream.indirect.gather [hbm4b:s5+s9], $0x20, s16, s9, $0xb8;
	[tilespmem:$0x4400] =	vst v63  }
0x31: {  	_ =	swait.ge [sflag:s18], $0x1000  }
0x32: {  	[sflag:s18] =	ssyncset.done $0x0  }
0x33: {  	[sflag:s18] =	ssyncadd.s32 $0xFFFFF000  }
0x34: {  	_ =	swait.ge [sflag:s18], $0x1000  }
0x35: {  	[sflag:s18] =	ssyncset.done $0x0  }
0x36: {  	[sflag:s18] =	ssyncadd.s32 $0xFFFFF000  }
0x37: {  	_ =	swait.ge [sflag:s18], $0x1000  }
0x38: {  	[sflag:s18] =	ssyncset.done $0x0  }
0x39: {  	[sflag:s18] =	ssyncadd.s32 $0xFFFFF000  }
0x3a: {  	s20 =	sadd.s32 $0x1, s20;
	_ =	swait.ge [sflag:s18], $0x1000  }
0x3b: {  	s21 =	sshll.u32 s21, $0x2;
	p0 =	sne.s32 s20, $0x1A;
	[sflag:s18] =	ssyncset.done $0x0  }
.Ltmp1:
0x3c: {  	s21 =	sadd.s32 s1, s21;
	[sflag:s18] =	ssyncadd.s32 $0xFFFFF000;
	(pc) =	sbr.rel @p0 .LBB2_2-.Ltmp1, $4  }
0x3d: {  	[hbm4b:s21+s2] =	stream.linear.scatter [tilespmem:s11], [sflag:$0x2], $0x4000, $0x38;
	[tilespmem:$0x4400] =	vst v63  }
0x3e: {  	_ =	swait.ge [sflag:s8], $0x4000  }
0x3f: {  	[sflag:s8] =	ssyncset.done $0x0  }
0x40: {  	[sflag:s8] =	ssyncadd.s32 $0xFFFFC000  }
0x41: {  	s19 =	sadd.s32 $0x1, s19  }
0x42: {  	p0 =	sne.s32 s19, s7  }
.Ltmp2:
0x43: {  	_ = 	snop;
	(pc) =	sbr.rel @p0 .LBB2_1-.Ltmp2, $1  }
0x44: {  	_ =	sdelay $0x3  }
0x45: {  	_ =	sfence.sel $0x180000  }
0x46: {  	[bflag:$0x0] =	sbarrier.arrive $0xFFFF  }
0x47: {  	p0 =	sne.s32 s3, $0x0;
	_ =	strace $0x90000047  }
0x48: {  	s0 =	sadd.s32 @!p0 $0x100000, s0;
	[bflag:$0x2] =	sbarrier.arrive $0xFFFF  }
0x49: {  	[sflag:s0] =	ssyncadd.tile.s32 @!p0 $0x1;
	_ =	shalt  }
.Lfunc_end2:
_tile_overlayer_lowered:
.L_overlay_start_2:
0x4a: {  	(tag) =	ssettag $0x2  }
0x4b: {  	s0 =	rddreg [dreg:$0x0];
	s2 =	stileid.u32  }
0x4c: {  	s1 =	rddreg [dreg:$0x1];
	p0 =	sne.s32 s2, $0x0  }
0x4d: {  	s3 =	rddreg [dreg:$0x2];
	[bflag:$0x3] =	sbarrier.arrive $0xFFFF;
	s2 =	simm.s32 @!p0 $0x1C02  }
0x4e: {  	[timem:s3], [sflag:s2] =	dma.local @!p0 [hbm:s0], s1  }
0x4f: {  	s0 =	simm.s32 @!p0 $0x2  }
0x50: {  	_ =	swait.ge @!p0 [sflag:s0], s1  }
0x51: {  	s1 =	ssub.s32 @!p0 $0x0, s1;
	[sflag:s0] =	ssyncset.done @!p0 $0x0  }
0x52: {  	[sflag:s0] =	ssyncadd.s32 @!p0 s1  }
0x53: {  	[bflag:$0x3] =	sbarrier.arrive $0xFFFF  }
0x54: {  	_ =	shalt  }

</sc_bundles>
